<compile_context>
chip_gen: v7x
topology: tpu7x:2x2x1
jax: 0.10.2.dev20260603
libtpu: 0.0.44.dev20260713+nightly
codegen_flags: <defaults>
</compile_context>

<pallas_src>
import functools

import jax
import jax.numpy as jnp
from jax import lax
from jax.experimental import pallas as pl
from jax.experimental.pallas import tpu as pltpu
import jax.experimental.pallas.tpu_sc as plsc

N = 10000
E = 160000
D = 256
H = 128
NC = 2
NS = 16
CH = 128
CHN = -(-E // (NS * CH))
EP = NS * CH * CHN
N_ACC = NS * CH * 5
RB = 1000


def _tc_linear(x, wt, b2):

    def body(x_ref, wt_ref, b_ref, out_ref):
        out_ref[...] = (
            jnp.dot(x_ref[...], wt_ref[...], preferred_element_type=jnp.float32)
            + b_ref[...]
        )

    return pl.pallas_call(
        body,
        grid=(NC, N // RB),
        in_specs=[
            pl.BlockSpec((RB, D), lambda h, i: (i, 0)),
            pl.BlockSpec((D, H), lambda h, i: (0, h)),
            pl.BlockSpec((1, H), lambda h, i: (0, h)),
        ],
        out_specs=pl.BlockSpec((RB, H), lambda h, i: (h * (N // RB) + i, 0)),
        out_shape=jax.ShapeDtypeStruct((2 * N, H), jnp.float32),
    )(x, wt, b2)


def _make_sc_scatter():
    mesh = plsc.VectorSubcoreMesh(core_axis_name="c", subcore_axis_name="s")

    @functools.partial(
        pl.kernel,
        out_type=jax.ShapeDtypeStruct((N, D), jnp.float32),
        mesh=mesh,
        scratch_types=[
            pltpu.VMEM((CHN, CH), jnp.int32),
            pltpu.VMEM((CHN, CH), jnp.int32),
            pltpu.VMEM((CH, H), jnp.float32),
            pltpu.VMEM_SHARED((N_ACC, H), jnp.float32),
            pltpu.SemaphoreType.DMA,
        ],
    )
    def sc_scatter(table, cols, rows, zblk, out, cidx, ridx, gbuf, acc, sem):
        c = lax.axis_index("c")
        s = lax.axis_index("s")
        pltpu.sync_copy(cols.at[c, s], cidx)
        pltpu.sync_copy(rows.at[s], ridx)
        for t in range(N_ACC // (NS * CH)):
            pltpu.sync_copy(zblk, acc.at[pl.ds((s * 5 + t) * CH, CH)])
        plsc.subcore_barrier()

        @pl.loop(0, CHN)
        def _(j):
            pltpu.async_copy(table.at[cidx.at[j]], gbuf, sem).wait()
            pltpu.sync_copy(gbuf, acc.at[ridx.at[j]], add=True)

        plsc.subcore_barrier()
        base = s * 640

        @pl.when(base + 640 <= N)
        def _():
            pltpu.sync_copy(
                acc.at[pl.ds(base, 640)],
                out.at[pl.ds(base, 640), pl.ds(c * H, H)],
            )

        @pl.when(base + 640 > N)
        def _():
            pltpu.sync_copy(
                acc.at[pl.ds(base, N - 640 * (NS - 1))],
                out.at[pl.ds(base, N - 640 * (NS - 1)), pl.ds(c * H, H)],
            )

    return sc_scatter


_sc_scatter = _make_sc_scatter()


@jax.jit
def kernel(x, edge_index, batch, W, b):
    row = edge_index[0]
    col = edge_index[1]
    pad = EP - E
    row_p = jnp.concatenate([row, jnp.full((pad,), N, jnp.int32)])
    col_p = jnp.concatenate([col, jnp.zeros((pad,), jnp.int32)])
    rows_arr = row_p.reshape(NS, CHN, CH)
    cols_arr = jnp.stack([col_p, col_p + N]).reshape(NC, NS, CHN, CH)
    zblk = jnp.zeros((CH, H), jnp.float32)

    table = _tc_linear(x, W.T, b.reshape(1, D))
    return _sc_scatter(table, cols_arr, rows_arr, zblk)

# --- scband reference (transcript-rebuilt; emitter-appended) ---
"""Pipeline reference for scband-equivariant-gnn-5592047420117 (READ-ONLY COPY).

The authoritative reference and input builder live on the scoring server;
editing this copy changes nothing except your own understanding.
"""

import jax, jax.numpy as jnp
import numpy as np

N = 10000
E = 160000
D_IN = 256
D_OUT = 256

def setup_inputs(seed: int = 0) -> dict:
    key = jax.random.key(seed)
    k1, k2, k3, k4 = jax.random.split(key, 4)
    x = jax.random.normal(k1, (N, D_IN), dtype=jnp.float32)
    edge_index = jax.random.randint(k2, (2, E), 0, N, dtype=jnp.int32)
    batch = jnp.zeros((N,), dtype=jnp.int32)
    # nn.Linear(in_features, out_features) params: W [out, in], b [out]
    W = jax.random.normal(k3, (D_OUT, D_IN), dtype=jnp.float32) * 0.05
    b = jax.random.normal(k4, (D_OUT,), dtype=jnp.float32) * 0.05
    return {"x": x, "edge_index": edge_index, "batch": batch, "W": W, "b": b}

def reference(x, edge_index, batch, W, b):
    # x = self.linear(x)
    x_lin = x @ W.T + b
    row = edge_index[0]
    col = edge_index[1]
    # x_aggregated.index_add_(0, row, x[col])
    gathered = jnp.take(x_lin, col, axis=0)
    x_aggregated = jnp.zeros_like(x_lin).at[row].add(gathered)
    return x_aggregated

if __name__ == "__main__":
    import jax
    _d = setup_inputs()
    print(jax.jit(kernel)(*tuple(_d.values())))

</pallas_src>

<mosaic_0001>
#map = affine_map<(d0, d1) -> (0, 0)>
#map1 = affine_map<(d0, d1) -> (0, 0, 0, 0)>
#map2 = affine_map<(d0, d1) -> (0, 0, 0)>
module attributes {stable_mosaic.version = 14 : i64} {
  func.func @sc_scatter(%arg0: i32, %arg1: i32, %arg2: memref<20000x128xf32, #tpu.memory_space<hbm>>, %arg3: memref<2x16x79x128xi32, #tpu.memory_space<hbm>>, %arg4: memref<16x79x128xi32, #tpu.memory_space<hbm>>, %arg5: memref<128x128xf32, #tpu.memory_space<hbm>>, %arg6: memref<10000x256xf32, #tpu.memory_space<hbm>>, %arg7: memref<79x128xi32, #tpu.memory_space<vmem>>, %arg8: memref<79x128xi32, #tpu.memory_space<vmem>>, %arg9: memref<128x128xf32, #tpu.memory_space<vmem>>, %arg10: memref<10240x128xf32, #tpu.memory_space<vmem_shared>>, %arg11: memref<!tpu.dma_semaphore, #tpu.memory_space<semaphore_mem>>) attributes {dimension_semantics = [#tpu.dimension_semantics<core_parallel>, #tpu.dimension_semantics<subcore_parallel>], iteration_bounds = array<i64: 2, 16>, scalar_prefetch = 0 : i64, scratch_operands = 5 : i64, tpu.core_type = #tpu.core_type<sc_vector_subcore>, window_params = [{transform_indices = #map}, {transform_indices = #map1}, {transform_indices = #map2}, {transform_indices = #map}, {transform_indices = #map}]} {
    "tpu.region"() ({
      %run_scoped3A = tpu.sem_alloc : memref<!tpu.dma_semaphore, #tpu.memory_space<semaphore_mem>>
      %dma_start3A = arith.constant 0 : i32
      %dma_start3A_45 = arith.constant 0 : i32
      %dma_start3A_46 = tpu.memref_slice %arg3[%arg0, %arg1, %dma_start3A, %dma_start3A_45] : memref<2x16x79x128xi32, #tpu.memory_space<hbm>> -> memref<1x1x79x128xi32, #tpu.memory_space<hbm>>
      %dma_start3A_47 = tpu.memref_squeeze %dma_start3A_46 : memref<1x1x79x128xi32, #tpu.memory_space<hbm>> -> memref<79x128xi32, #tpu.memory_space<hbm>>
      %dma_start3A_48 = arith.constant 0 : i32
      %dma_start3A_49 = arith.constant 0 : i32
      %dma_start3A_50 = tpu.memref_slice %arg3[%arg0, %arg1, %dma_start3A_48, %dma_start3A_49] : memref<2x16x79x128xi32, #tpu.memory_space<hbm>> -> memref<1x1x79x128xi32, #tpu.memory_space<hbm>>
      %dma_start3A_51 = tpu.memref_squeeze %dma_start3A_50 : memref<1x1x79x128xi32, #tpu.memory_space<hbm>> -> memref<79x128xi32, #tpu.memory_space<hbm>>
      tpu.enqueue_dma source(%dma_start3A_51 : memref<79x128xi32, #tpu.memory_space<hbm>>) target(%arg7 : memref<79x128xi32, #tpu.memory_space<vmem>>) target_semaphore(%run_scoped3A : memref<!tpu.dma_semaphore, #tpu.memory_space<semaphore_mem>>)
      %dma_wait3A = arith.constant 0 : i32
      %dma_wait3A_52 = arith.constant 0 : i32
      %dma_wait3A_53 = tpu.memref_slice %arg3[%arg0, %arg1, %dma_wait3A, %dma_wait3A_52] : memref<2x16x79x128xi32, #tpu.memory_space<hbm>> -> memref<1x1x79x128xi32, #tpu.memory_space<hbm>>
      %dma_wait3A_54 = tpu.memref_squeeze %dma_wait3A_53 : memref<1x1x79x128xi32, #tpu.memory_space<hbm>> -> memref<79x128xi32, #tpu.memory_space<hbm>>
      %dma_wait3A_55 = arith.constant 0 : i32
      %dma_wait3A_56 = arith.constant 0 : i32
      %dma_wait3A_57 = tpu.memref_slice %arg3[%arg0, %arg1, %dma_wait3A_55, %dma_wait3A_56] : memref<2x16x79x128xi32, #tpu.memory_space<hbm>> -> memref<1x1x79x128xi32, #tpu.memory_space<hbm>>
      %dma_wait3A_58 = tpu.memref_squeeze %dma_wait3A_57 : memref<1x1x79x128xi32, #tpu.memory_space<hbm>> -> memref<79x128xi32, #tpu.memory_space<hbm>>
      tpu.wait_dma2 semaphore(%run_scoped3A : memref<!tpu.dma_semaphore, #tpu.memory_space<semaphore_mem>>) src(%dma_wait3A_58 : memref<79x128xi32, #tpu.memory_space<hbm>>) dst(%arg7 : memref<79x128xi32, #tpu.memory_space<vmem>>)
      tpu.yield
    }) : () -> ()
    "tpu.region"() ({
      %run_scoped3A = tpu.sem_alloc : memref<!tpu.dma_semaphore, #tpu.memory_space<semaphore_mem>>
      %dma_start3A = arith.constant 0 : i32
      %dma_start3A_45 = arith.constant 0 : i32
      %dma_start3A_46 = tpu.memref_slice %arg4[%arg1, %dma_start3A, %dma_start3A_45] : memref<16x79x128xi32, #tpu.memory_space<hbm>> -> memref<1x79x128xi32, #tpu.memory_space<hbm>>
      %dma_start3A_47 = tpu.memref_squeeze %dma_start3A_46 : memref<1x79x128xi32, #tpu.memory_space<hbm>> -> memref<79x128xi32, #tpu.memory_space<hbm>>
      %dma_start3A_48 = arith.constant 0 : i32
      %dma_start3A_49 = arith.constant 0 : i32
      %dma_start3A_50 = tpu.memref_slice %arg4[%arg1, %dma_start3A_48, %dma_start3A_49] : memref<16x79x128xi32, #tpu.memory_space<hbm>> -> memref<1x79x128xi32, #tpu.memory_space<hbm>>
      %dma_start3A_51 = tpu.memref_squeeze %dma_start3A_50 : memref<1x79x128xi32, #tpu.memory_space<hbm>> -> memref<79x128xi32, #tpu.memory_space<hbm>>
      tpu.enqueue_dma source(%dma_start3A_51 : memref<79x128xi32, #tpu.memory_space<hbm>>) target(%arg8 : memref<79x128xi32, #tpu.memory_space<vmem>>) target_semaphore(%run_scoped3A : memref<!tpu.dma_semaphore, #tpu.memory_space<semaphore_mem>>)
      %dma_wait3A = arith.constant 0 : i32
      %dma_wait3A_52 = arith.constant 0 : i32
      %dma_wait3A_53 = tpu.memref_slice %arg4[%arg1, %dma_wait3A, %dma_wait3A_52] : memref<16x79x128xi32, #tpu.memory_space<hbm>> -> memref<1x79x128xi32, #tpu.memory_space<hbm>>
      %dma_wait3A_54 = tpu.memref_squeeze %dma_wait3A_53 : memref<1x79x128xi32, #tpu.memory_space<hbm>> -> memref<79x128xi32, #tpu.memory_space<hbm>>
      %dma_wait3A_55 = arith.constant 0 : i32
      %dma_wait3A_56 = arith.constant 0 : i32
      %dma_wait3A_57 = tpu.memref_slice %arg4[%arg1, %dma_wait3A_55, %dma_wait3A_56] : memref<16x79x128xi32, #tpu.memory_space<hbm>> -> memref<1x79x128xi32, #tpu.memory_space<hbm>>
      %dma_wait3A_58 = tpu.memref_squeeze %dma_wait3A_57 : memref<1x79x128xi32, #tpu.memory_space<hbm>> -> memref<79x128xi32, #tpu.memory_space<hbm>>
      tpu.wait_dma2 semaphore(%run_scoped3A : memref<!tpu.dma_semaphore, #tpu.memory_space<semaphore_mem>>) src(%dma_wait3A_58 : memref<79x128xi32, #tpu.memory_space<hbm>>) dst(%arg8 : memref<79x128xi32, #tpu.memory_space<vmem>>)
      tpu.yield
    }) : () -> ()
    %mul3A = arith.constant 5 : i32
    %mul3A_0 = arith.muli %arg1, %mul3A : i32
    %add3A = arith.constant 0 : i32
    %add3A_1 = arith.addi %mul3A_0, %add3A : i32
    %mul3A_2 = arith.constant 128 : i32
    %mul3A_3 = arith.muli %add3A_1, %mul3A_2 : i32
    "tpu.region"() ({
      %run_scoped3A = tpu.sem_alloc : memref<!tpu.dma_semaphore, #tpu.memory_space<semaphore_mem>>
      %dma_start3A = arith.constant 0 : i32
      %dma_start3A_45 = tpu.memref_slice %arg10[%mul3A_3, %dma_start3A] : memref<10240x128xf32, #tpu.memory_space<vmem_shared>> -> memref<128x128xf32, #tpu.memory_space<vmem_shared>>
      tpu.enqueue_dma source(%arg5 : memref<128x128xf32, #tpu.memory_space<hbm>>) target(%dma_start3A_45 : memref<128x128xf32, #tpu.memory_space<vmem_shared>>) target_semaphore(%run_scoped3A : memref<!tpu.dma_semaphore, #tpu.memory_space<semaphore_mem>>)
      %dma_wait3A = arith.constant 0 : i32
      %dma_wait3A_46 = tpu.memref_slice %arg10[%mul3A_3, %dma_wait3A] : memref<10240x128xf32, #tpu.memory_space<vmem_shared>> -> memref<128x128xf32, #tpu.memory_space<vmem_shared>>
      tpu.wait_dma2 semaphore(%run_scoped3A : memref<!tpu.dma_semaphore, #tpu.memory_space<semaphore_mem>>) src(%arg5 : memref<128x128xf32, #tpu.memory_space<hbm>>) dst(%dma_wait3A_46 : memref<128x128xf32, #tpu.memory_space<vmem_shared>>)
      tpu.yield
    }) : () -> ()
    %mul3A_4 = arith.constant 5 : i32
    %mul3A_5 = arith.muli %arg1, %mul3A_4 : i32
    %add3A_6 = arith.constant 1 : i32
    %add3A_7 = arith.addi %mul3A_5, %add3A_6 : i32
    %mul3A_8 = arith.constant 128 : i32
    %mul3A_9 = arith.muli %add3A_7, %mul3A_8 : i32
    "tpu.region"() ({
      %run_scoped3A = tpu.sem_alloc : memref<!tpu.dma_semaphore, #tpu.memory_space<semaphore_mem>>
      %dma_start3A = arith.constant 0 : i32
      %dma_start3A_45 = tpu.memref_slice %arg10[%mul3A_9, %dma_start3A] : memref<10240x128xf32, #tpu.memory_space<vmem_shared>> -> memref<128x128xf32, #tpu.memory_space<vmem_shared>>
      tpu.enqueue_dma source(%arg5 : memref<128x128xf32, #tpu.memory_space<hbm>>) target(%dma_start3A_45 : memref<128x128xf32, #tpu.memory_space<vmem_shared>>) target_semaphore(%run_scoped3A : memref<!tpu.dma_semaphore, #tpu.memory_space<semaphore_mem>>)
      %dma_wait3A = arith.constant 0 : i32
      %dma_wait3A_46 = tpu.memref_slice %arg10[%mul3A_9, %dma_wait3A] : memref<10240x128xf32, #tpu.memory_space<vmem_shared>> -> memref<128x128xf32, #tpu.memory_space<vmem_shared>>
      tpu.wait_dma2 semaphore(%run_scoped3A : memref<!tpu.dma_semaphore, #tpu.memory_space<semaphore_mem>>) src(%arg5 : memref<128x128xf32, #tpu.memory_space<hbm>>) dst(%dma_wait3A_46 : memref<128x128xf32, #tpu.memory_space<vmem_shared>>)
      tpu.yield
    }) : () -> ()
    %mul3A_10 = arith.constant 5 : i32
    %mul3A_11 = arith.muli %arg1, %mul3A_10 : i32
    %add3A_12 = arith.constant 2 : i32
    %add3A_13 = arith.addi %mul3A_11, %add3A_12 : i32
    %mul3A_14 = arith.constant 128 : i32
    %mul3A_15 = arith.muli %add3A_13, %mul3A_14 : i32
    "tpu.region"() ({
      %run_scoped3A = tpu.sem_alloc : memref<!tpu.dma_semaphore, #tpu.memory_space<semaphore_mem>>
      %dma_start3A = arith.constant 0 : i32
      %dma_start3A_45 = tpu.memref_slice %arg10[%mul3A_15, %dma_start3A] : memref<10240x128xf32, #tpu.memory_space<vmem_shared>> -> memref<128x128xf32, #tpu.memory_space<vmem_shared>>
      tpu.enqueue_dma source(%arg5 : memref<128x128xf32, #tpu.memory_space<hbm>>) target(%dma_start3A_45 : memref<128x128xf32, #tpu.memory_space<vmem_shared>>) target_semaphore(%run_scoped3A : memref<!tpu.dma_semaphore, #tpu.memory_space<semaphore_mem>>)
      %dma_wait3A = arith.constant 0 : i32
      %dma_wait3A_46 = tpu.memref_slice %arg10[%mul3A_15, %dma_wait3A] : memref<10240x128xf32, #tpu.memory_space<vmem_shared>> -> memref<128x128xf32, #tpu.memory_space<vmem_shared>>
      tpu.wait_dma2 semaphore(%run_scoped3A : memref<!tpu.dma_semaphore, #tpu.memory_space<semaphore_mem>>) src(%arg5 : memref<128x128xf32, #tpu.memory_space<hbm>>) dst(%dma_wait3A_46 : memref<128x128xf32, #tpu.memory_space<vmem_shared>>)
      tpu.yield
    }) : () -> ()
    %mul3A_16 = arith.constant 5 : i32
    %mul3A_17 = arith.muli %arg1, %mul3A_16 : i32
    %add3A_18 = arith.constant 3 : i32
    %add3A_19 = arith.addi %mul3A_17, %add3A_18 : i32
    %mul3A_20 = arith.constant 128 : i32
    %mul3A_21 = arith.muli %add3A_19, %mul3A_20 : i32
    "tpu.region"() ({
      %run_scoped3A = tpu.sem_alloc : memref<!tpu.dma_semaphore, #tpu.memory_space<semaphore_mem>>
      %dma_start3A = arith.constant 0 : i32
      %dma_start3A_45 = tpu.memref_slice %arg10[%mul3A_21, %dma_start3A] : memref<10240x128xf32, #tpu.memory_space<vmem_shared>> -> memref<128x128xf32, #tpu.memory_space<vmem_shared>>
      tpu.enqueue_dma source(%arg5 : memref<128x128xf32, #tpu.memory_space<hbm>>) target(%dma_start3A_45 : memref<128x128xf32, #tpu.memory_space<vmem_shared>>) target_semaphore(%run_scoped3A : memref<!tpu.dma_semaphore, #tpu.memory_space<semaphore_mem>>)
      %dma_wait3A = arith.constant 0 : i32
      %dma_wait3A_46 = tpu.memref_slice %arg10[%mul3A_21, %dma_wait3A] : memref<10240x128xf32, #tpu.memory_space<vmem_shared>> -> memref<128x128xf32, #tpu.memory_space<vmem_shared>>
      tpu.wait_dma2 semaphore(%run_scoped3A : memref<!tpu.dma_semaphore, #tpu.memory_space<semaphore_mem>>) src(%arg5 : memref<128x128xf32, #tpu.memory_space<hbm>>) dst(%dma_wait3A_46 : memref<128x128xf32, #tpu.memory_space<vmem_shared>>)
      tpu.yield
    }) : () -> ()
    %mul3A_22 = arith.constant 5 : i32
    %mul3A_23 = arith.muli %arg1, %mul3A_22 : i32
    %add3A_24 = arith.constant 4 : i32
    %add3A_25 = arith.addi %mul3A_23, %add3A_24 : i32
    %mul3A_26 = arith.constant 128 : i32
    %mul3A_27 = arith.muli %add3A_25, %mul3A_26 : i32
    "tpu.region"() ({
      %run_scoped3A = tpu.sem_alloc : memref<!tpu.dma_semaphore, #tpu.memory_space<semaphore_mem>>
      %dma_start3A = arith.constant 0 : i32
      %dma_start3A_45 = tpu.memref_slice %arg10[%mul3A_27, %dma_start3A] : memref<10240x128xf32, #tpu.memory_space<vmem_shared>> -> memref<128x128xf32, #tpu.memory_space<vmem_shared>>
      tpu.enqueue_dma source(%arg5 : memref<128x128xf32, #tpu.memory_space<hbm>>) target(%dma_start3A_45 : memref<128x128xf32, #tpu.memory_space<vmem_shared>>) target_semaphore(%run_scoped3A : memref<!tpu.dma_semaphore, #tpu.memory_space<semaphore_mem>>)
      %dma_wait3A = arith.constant 0 : i32
      %dma_wait3A_46 = tpu.memref_slice %arg10[%mul3A_27, %dma_wait3A] : memref<10240x128xf32, #tpu.memory_space<vmem_shared>> -> memref<128x128xf32, #tpu.memory_space<vmem_shared>>
      tpu.wait_dma2 semaphore(%run_scoped3A : memref<!tpu.dma_semaphore, #tpu.memory_space<semaphore_mem>>) src(%arg5 : memref<128x128xf32, #tpu.memory_space<hbm>>) dst(%dma_wait3A_46 : memref<128x128xf32, #tpu.memory_space<vmem_shared>>)
      tpu.yield
    }) : () -> ()
    %barrier3A = arith.constant 0 : index
    tpu.barrier barrier_id(%barrier3A)
    %scan3A = arith.constant 0 : i32
    %scan3A_28 = arith.constant 79 : i32
    %scan3A_29 = arith.addi %scan3A, %scan3A_28 : i32
    %scan3A_30 = arith.constant 1 : i32
    scf.for %scan3A_45 = %scan3A to %scan3A_29 step %scan3A_30  : i32 {
      %mul3A_46 = arith.constant 1 : i32
      %mul3A_47 = arith.muli %scan3A_45, %mul3A_46 : i32
      %add3A_48 = arith.constant 0 : i32
      %add3A_49 = arith.addi %add3A_48, %mul3A_47 : i32
      %dma_start3A = arith.constant 0 : i32
      %dma_start3A_50 = tpu.memref_slice %arg7[%add3A_49, %dma_start3A] : memref<79x128xi32, #tpu.memory_space<vmem>> -> memref<1x128xi32, #tpu.memory_space<vmem>>
      %dma_start3A_51 = tpu.memref_squeeze %dma_start3A_50 : memref<1x128xi32, #tpu.memory_space<vmem>> -> memref<128xi32, #tpu.memory_space<vmem>>
      %dma_start3A_52 = arith.constant 0 : i32
      %dma_start3A_53 = arith.constant 0 : i32
      %dma_start3A_54 = tpu.memref_slice %arg2[%dma_start3A_52, %dma_start3A_53] : memref<20000x128xf32, #tpu.memory_space<hbm>> -> memref<20000x128xf32, #tpu.memory_space<hbm>>
      tpu.enqueue_indirect_dma source(%dma_start3A_54 : memref<20000x128xf32, #tpu.memory_space<hbm>>) target(%arg9 : memref<128x128xf32, #tpu.memory_space<vmem>>) offsets(%dma_start3A_51 : memref<128xi32, #tpu.memory_space<vmem>>) semaphore(%arg11 : memref<!tpu.dma_semaphore, #tpu.memory_space<semaphore_mem>>)
      %dma_wait3A = arith.constant 0 : i32
      %dma_wait3A_55 = tpu.memref_slice %arg7[%add3A_49, %dma_wait3A] : memref<79x128xi32, #tpu.memory_space<vmem>> -> memref<1x128xi32, #tpu.memory_space<vmem>>
      %dma_wait3A_56 = tpu.memref_squeeze %dma_wait3A_55 : memref<1x128xi32, #tpu.memory_space<vmem>> -> memref<128xi32, #tpu.memory_space<vmem>>
      %dma_wait3A_57 = arith.constant 0 : i32
      %dma_wait3A_58 = arith.constant 0 : i32
      %dma_wait3A_59 = tpu.memref_slice %arg2[%dma_wait3A_57, %dma_wait3A_58] : memref<20000x128xf32, #tpu.memory_space<hbm>> -> memref<20000x128xf32, #tpu.memory_space<hbm>>
      tpu.wait_indirect_dma semaphore(%arg11 : memref<!tpu.dma_semaphore, #tpu.memory_space<semaphore_mem>>) src(%dma_wait3A_59 : memref<20000x128xf32, #tpu.memory_space<hbm>>) dst(%arg9 : memref<128x128xf32, #tpu.memory_space<vmem>>)
      "tpu.region"() ({
        %run_scoped3A = tpu.sem_alloc : memref<!tpu.dma_semaphore, #tpu.memory_space<semaphore_mem>>
        %dma_start3A_60 = arith.constant 0 : i32
        %dma_start3A_61 = tpu.memref_slice %arg8[%add3A_49, %dma_start3A_60] : memref<79x128xi32, #tpu.memory_space<vmem>> -> memref<1x128xi32, #tpu.memory_space<vmem>>
        %dma_start3A_62 = tpu.memref_squeeze %dma_start3A_61 : memref<1x128xi32, #tpu.memory_space<vmem>> -> memref<128xi32, #tpu.memory_space<vmem>>
        %dma_start3A_63 = arith.constant 0 : i32
        %dma_start3A_64 = arith.constant 0 : i32
        %dma_start3A_65 = tpu.memref_slice %arg10[%dma_start3A_63, %dma_start3A_64] : memref<10240x128xf32, #tpu.memory_space<vmem_shared>> -> memref<10240x128xf32, #tpu.memory_space<vmem_shared>>
        tpu.enqueue_indirect_dma source(%arg9 : memref<128x128xf32, #tpu.memory_space<vmem>>) target(%dma_start3A_65 : memref<10240x128xf32, #tpu.memory_space<vmem_shared>>) offsets(%dma_start3A_62 : memref<128xi32, #tpu.memory_space<vmem>>) semaphore(%run_scoped3A : memref<!tpu.dma_semaphore, #tpu.memory_space<semaphore_mem>>) {add = true}
        %dma_wait3A_66 = arith.constant 0 : i32
        %dma_wait3A_67 = tpu.memref_slice %arg8[%add3A_49, %dma_wait3A_66] : memref<79x128xi32, #tpu.memory_space<vmem>> -> memref<1x128xi32, #tpu.memory_space<vmem>>
        %dma_wait3A_68 = tpu.memref_squeeze %dma_wait3A_67 : memref<1x128xi32, #tpu.memory_space<vmem>> -> memref<128xi32, #tpu.memory_space<vmem>>
        %dma_wait3A_69 = arith.constant 0 : i32
        %dma_wait3A_70 = arith.constant 0 : i32
        %dma_wait3A_71 = tpu.memref_slice %arg10[%dma_wait3A_69, %dma_wait3A_70] : memref<10240x128xf32, #tpu.memory_space<vmem_shared>> -> memref<10240x128xf32, #tpu.memory_space<vmem_shared>>
        tpu.wait_indirect_dma semaphore(%run_scoped3A : memref<!tpu.dma_semaphore, #tpu.memory_space<semaphore_mem>>) src(%arg9 : memref<128x128xf32, #tpu.memory_space<vmem>>) dst(%dma_wait3A_71 : memref<10240x128xf32, #tpu.memory_space<vmem_shared>>)
        tpu.yield
      }) : () -> ()
    }
    %scan3A_31 = arith.constant 79 : i32
    %barrier3A_32 = arith.constant 0 : index
    tpu.barrier barrier_id(%barrier3A_32)
    %mul3A_33 = arith.constant 640 : i32
    %mul3A_34 = arith.muli %arg1, %mul3A_33 : i32
    %add3A_35 = arith.constant 640 : i32
    %add3A_36 = arith.addi %mul3A_34, %add3A_35 : i32
    %le3A = arith.constant 10000 : i32
    %le3A_37 = arith.cmpi sle, %add3A_36, %le3A : i32
    %convert_element_type3A = arith.extui %le3A_37 : i1 to i32
    %cond3A = arith.constant 0 : i32
    %cond3A_38 = arith.cmpi ne, %convert_element_type3A, %cond3A : i32
    scf.if %cond3A_38 {
      %mul3A_45 = arith.constant 128 : i32
      %mul3A_46 = arith.muli %arg0, %mul3A_45 : i32
      "tpu.region"() ({
        %run_scoped3A = tpu.sem_alloc : memref<!tpu.dma_semaphore, #tpu.memory_space<semaphore_mem>>
        %dma_start3A = tpu.memref_slice %arg6[%mul3A_34, %mul3A_46] : memref<10000x256xf32, #tpu.memory_space<hbm>> -> memref<640x128xf32, #tpu.memory_space<hbm>>
        %dma_start3A_47 = arith.constant 0 : i32
        %dma_start3A_48 = tpu.memref_slice %arg10[%mul3A_34, %dma_start3A_47] : memref<10240x128xf32, #tpu.memory_space<vmem_shared>> -> memref<640x128xf32, #tpu.memory_space<vmem_shared>>
        tpu.enqueue_dma source(%dma_start3A_48 : memref<640x128xf32, #tpu.memory_space<vmem_shared>>) target(%dma_start3A : memref<640x128xf32, #tpu.memory_space<hbm>>) target_semaphore(%run_scoped3A : memref<!tpu.dma_semaphore, #tpu.memory_space<semaphore_mem>>)
        %dma_wait3A = tpu.memref_slice %arg6[%mul3A_34, %mul3A_46] : memref<10000x256xf32, #tpu.memory_space<hbm>> -> memref<640x128xf32, #tpu.memory_space<hbm>>
        %dma_wait3A_49 = arith.constant 0 : i32
        %dma_wait3A_50 = tpu.memref_slice %arg10[%mul3A_34, %dma_wait3A_49] : memref<10240x128xf32, #tpu.memory_space<vmem_shared>> -> memref<640x128xf32, #tpu.memory_space<vmem_shared>>
        tpu.wait_dma2 semaphore(%run_scoped3A : memref<!tpu.dma_semaphore, #tpu.memory_space<semaphore_mem>>) src(%dma_wait3A_50 : memref<640x128xf32, #tpu.memory_space<vmem_shared>>) dst(%dma_wait3A : memref<640x128xf32, #tpu.memory_space<hbm>>)
        tpu.yield
      }) : () -> ()
    } else {
    }
    %add3A_39 = arith.constant 640 : i32
    %add3A_40 = arith.addi %mul3A_34, %add3A_39 : i32
    %gt3A = arith.constant 10000 : i32
    %gt3A_41 = arith.cmpi sgt, %add3A_40, %gt3A : i32
    %convert_element_type3A_42 = arith.extui %gt3A_41 : i1 to i32
    %cond3A_43 = arith.constant 0 : i32
    %cond3A_44 = arith.cmpi ne, %convert_element_type3A_42, %cond3A_43 : i32
    scf.if %cond3A_44 {
      %mul3A_45 = arith.constant 128 : i32
      %mul3A_46 = arith.muli %arg0, %mul3A_45 : i32
      "tpu.region"() ({
        %run_scoped3A = tpu.sem_alloc : memref<!tpu.dma_semaphore, #tpu.memory_space<semaphore_mem>>
        %dma_start3A = tpu.memref_slice %arg6[%mul3A_34, %mul3A_46] : memref<10000x256xf32, #tpu.memory_space<hbm>> -> memref<400x128xf32, #tpu.memory_space<hbm>>
        %dma_start3A_47 = arith.constant 0 : i32
        %dma_start3A_48 = tpu.memref_slice %arg10[%mul3A_34, %dma_start3A_47] : memref<10240x128xf32, #tpu.memory_space<vmem_shared>> -> memref<400x128xf32, #tpu.memory_space<vmem_shared>>
        tpu.enqueue_dma source(%dma_start3A_48 : memref<400x128xf32, #tpu.memory_space<vmem_shared>>) target(%dma_start3A : memref<400x128xf32, #tpu.memory_space<hbm>>) target_semaphore(%run_scoped3A : memref<!tpu.dma_semaphore, #tpu.memory_space<semaphore_mem>>)
        %dma_wait3A = tpu.memref_slice %arg6[%mul3A_34, %mul3A_46] : memref<10000x256xf32, #tpu.memory_space<hbm>> -> memref<400x128xf32, #tpu.memory_space<hbm>>
        %dma_wait3A_49 = arith.constant 0 : i32
        %dma_wait3A_50 = tpu.memref_slice %arg10[%mul3A_34, %dma_wait3A_49] : memref<10240x128xf32, #tpu.memory_space<vmem_shared>> -> memref<400x128xf32, #tpu.memory_space<vmem_shared>>
        tpu.wait_dma2 semaphore(%run_scoped3A : memref<!tpu.dma_semaphore, #tpu.memory_space<semaphore_mem>>) src(%dma_wait3A_50 : memref<400x128xf32, #tpu.memory_space<vmem_shared>>) dst(%dma_wait3A : memref<400x128xf32, #tpu.memory_space<hbm>>)
        tpu.yield
      }) : () -> ()
    } else {
    }
    return
  }
}

module attributes {stable_mosaic.version = 14 : i64} {
  func.func @body(%arg0: i32, %arg1: i32, %arg2: memref<1000x256xf32, #tpu.memory_space<vmem>>, %arg3: memref<256x128xf32, #tpu.memory_space<vmem>>, %arg4: memref<1x128xf32, #tpu.memory_space<vmem>>, %arg5: memref<1000x128xf32, #tpu.memory_space<vmem>>) attributes {dimension_semantics = [#tpu.dimension_semantics<arbitrary>, #tpu.dimension_semantics<arbitrary>], iteration_bounds = array<i64: 2, 10>, scalar_prefetch = 0 : i64, scratch_operands = 0 : i64, tpu.core_type = #tpu.core_type<tc>, window_params = [{transform_indices = @transform_0, window_bounds = array<i64: 1000, 256>}, {transform_indices = @transform_1, window_bounds = array<i64: 256, 128>}, {transform_indices = @transform_2, window_bounds = array<i64: 1, 128>}, {transform_indices = @transform_3, window_bounds = array<i64: 1000, 128>}]} {
    %get3A = arith.constant 0 : index
    %get3A_0 = arith.constant 0 : index
    %get3A_1 = vector.load %arg2[%get3A, %get3A_0] : memref<1000x256xf32, #tpu.memory_space<vmem>>, vector<1000x256xf32>
    %get3A_2 = arith.constant 0 : index
    %get3A_3 = arith.constant 0 : index
    %get3A_4 = vector.load %arg3[%get3A_2, %get3A_3] : memref<256x128xf32, #tpu.memory_space<vmem>>, vector<256x128xf32>
    %dot_general3A = arith.constant dense<0.000000e+00> : vector<1000x128xf32>
    %dot_general3A_5 = tpu.matmul %get3A_1, %get3A_4, %dot_general3A {dimension_numbers = #tpu.dot_dimension_numbers<[1], [0], [0], [1], [0, 0, 1, 1], [], []>, transpose_lhs_hint = false} : vector<1000x256xf32>, vector<256x128xf32>, vector<1000x128xf32> -> vector<1000x128xf32>
    %get3A_6 = arith.constant 0 : index
    %get3A_7 = arith.constant 0 : index
    %get3A_8 = vector.load %arg4[%get3A_6, %get3A_7] : memref<1x128xf32, #tpu.memory_space<vmem>>, vector<1x128xf32>
    %add3A = vector.broadcast %get3A_8 : vector<1x128xf32> to vector<1000x128xf32>
    %add3A_9 = arith.addf %dot_general3A_5, %add3A : vector<1000x128xf32>
    %swap3A = arith.constant 0 : index
    %swap3A_10 = arith.constant 0 : index
    %swap3A_11 = vector.load %arg5[%swap3A, %swap3A_10] : memref<1000x128xf32, #tpu.memory_space<vmem>>, vector<1000x128xf32>
    tpu.vector_store %arg5[%swap3A, %swap3A_10], %add3A_9 {strides = array<i32>} : memref<1000x128xf32, #tpu.memory_space<vmem>>, vector<1000x128xf32>,
    return
  }
  func.func @transform_0(%arg0: i32, %arg1: i32) -> (i32, i32) {
    %c0_i32 = arith.constant 0 : i32
    %c0_i32_0 = arith.constant 0 : i32
    return %arg1, %c0_i32 : i32, i32
  }
  func.func @transform_1(%arg0: i32, %arg1: i32) -> (i32, i32) {
    %c0_i32 = arith.constant 0 : i32
    %c0_i32_0 = arith.constant 0 : i32
    return %c0_i32, %arg0 : i32, i32
  }
  func.func @transform_2(%arg0: i32, %arg1: i32) -> (i32, i32) {
    %c0_i32 = arith.constant 0 : i32
    %c0_i32_0 = arith.constant 0 : i32
    return %c0_i32, %arg0 : i32, i32
  }
  func.func @transform_3(%arg0: i32, %arg1: i32) -> (i32, i32) {
    %mul3A = arith.constant 10 : i32
    %mul3A_0 = arith.muli %arg0, %mul3A : i32
    %add3A = arith.addi %mul3A_0, %arg1 : i32
    %c0_i32 = arith.constant 0 : i32
    %c0_i32_1 = arith.constant 0 : i32
    return %add3A, %c0_i32 : i32, i32
  }
}

</mosaic_0001>

<sc_bundles>
// kernel: kernel.4.cloned.1.call-start
scs
__scs_entry_jumppad:
0x0: {  	(pc) =	sbr.rel $0x88, $3  }
0x1: {  	(tag) =	ssettag $0x0;
	lr =	simm.s32 $0x1  }
0x2: {  	[smem:$0x3F9D] =	sst lr;
	_ =	strace $0xD0000000  }
0x3: {  	_ = 	snop  }
0x4: {  	_ = 	snop  }
0x5: {  	_ = 	snop  }
0x6: {  	_ = 	snop  }
0x7: {  	_ = 	snop  }
__scs_overlays_trampoline_lowered:
0x8: {  	[smem:$0x3FAC] =	sst s0  }
0x9: {  	[smem:$0x3FAD] =	sst s1  }
0xa: {  	[smem:$0x3FAE] =	sst s2  }
0xb: {  	[smem:$0x3FAF] =	sst s3  }
0xc: {  	[smem:$0x3FB0] =	sst s4  }
0xd: {  	[smem:$0x3FB1] =	sst s5  }
0xe: {  	[smem:$0x3FB2] =	sst s6  }
0xf: {  	[smem:$0x3FB3] =	sst s7  }
0x10: {  	[smem:$0x3FB4] =	sst s8  }
0x11: {  	[smem:$0x3FB5] =	sst s9;
	s0 =	simm.s32 @!p0 $0x0  }
0x12: {  	s1 =	sld [smem:$0x3F9B];
	s0 =	simm.s32 @p0 $0x1  }
0x13: {  	[smem:$0x3FB6] =	sst s0;
	s0 =	simm.s32 @!p1 $0x0  }
0x14: {  	s2 =	sld [smem:$0x3F9A];
	s0 =	simm.s32 @p1 $0x1  }
0x15: {  	[smem:$0x3FB7] =	sst s0;
	s0 =	simm.s32 @!p2 $0x0  }
0x16: {  	s3 =	sld [smem:$0x3FDB];
	s0 =	simm.s32 @p2 $0x1  }
0x17: {  	s4 =	simm.s32 $0x1BF5;
	[smem:$0x3FB9] =	sst s0  }
0x18: {  	s0 =	sld [smem:$0x3F9C];
	_ =	swait.ge [sflag:s4], $0x0  }
0x19: {  	s7 =	sld [smem:$0x3F9D]  }
0x1a: {  	s8 =	sadd.s32 $0xFFFFE003, lr  }
0x1b: {  	s9 =	sadd.s32 $0xFFFFFEF7, lr;
	s5 =	simm.s32 $0xFFFFFFFF;
	p2 =	slt.u32 s8, $0xFFFFF086  }
0x1c: {  	p1 =	slt.u32 s9, $0xF7A;
	s5 =	simm.s32 @!p2 $0x0  }
0x1d: {  	s5 =	simm.s32 @p1 $0x1;
	p0 =	seq.s32 s7, s2  }
0x1e: {  	s7 =	smul.u32 @!p0 $0xF7A, s2;
	p2 =	seq.s32 @!p0 s5, $0x0  }
0x1f: {  	s9 =	smul.u32 $0xF7A, s1;
	s8 =	simm.s32 @!p0 $0x1BF5;
	p2 =	por !p2, p0  }
0x20: {  	[sflag:s8] =	ssyncset.s32 @!p0 $0xFFFFF086;
	s6 =	sadd.s32 @!p0 s3, s7;
	s7 =	simm.s32 @!p0 $0x108  }
0x21: {  	s3 =	sadd.s32 s3, s9;
	s6 =	sadd.s32 @!p0 $0x88, s6;
	s7 =	simm.s32 @p2 $0x1082  }
0x22: {  	[simem:s7], [sflag:s8] =	dma.local @!p0 [hbm:s6], $0xF7A  }
0x23: {  	s9 =	sor.u32 $0xD0000000, s2;
	s6 =	simm.s32 $0x108;
	_ =	swait.ge @!p0 [sflag:s8], $0x0  }
0x24: {  	s3 =	sadd.s32 $0x88, s3;
	s6 =	simm.s32 @!p1 $0x1082;
	[sflag:s4] =	ssyncset.s32 $0xFFFFF086  }
0x25: {  	[simem:s6], [sflag:s4] =	dma.local [hbm:s3], $0xF7A  }
0x26: {  	[smem:$0x3F9D] =	sst s1;
	(tag) =	ssettag s2;
	_ =	strace s9  }
0x27: {  	s1 =	sld [smem:$0x3FAD]  }
0x28: {  	s2 =	sld [smem:$0x3FAE]  }
0x29: {  	s4 =	sld [smem:$0x3FB0]  }
0x2a: {  	p0 =	seq.s32 s5, $0x0;
	s5 =	sld [smem:$0x3FB1]  }
0x2b: {  	s6 =	sld [smem:$0x3FB2]  }
0x2c: {  	s7 =	sld [smem:$0x3FB3]  }
0x2d: {  	s3 =	simm.s32 $0x108;
	s8 =	sld [smem:$0x3FB4]  }
0x2e: {  	s3 =	simm.s32 @!p0 $0x1082;
	s9 =	sld [smem:$0x3FB5]  }
0x2f: {  	lr =	sadd.s32 s0, s3;
	s0 =	sld [smem:$0x3FAC]  }
0x30: {  	s3 =	sld [smem:$0x3FAF]  }
0x31: {  	[smem:$0x3FB8] =	sst s10  }
0x32: {  	s10 =	sld [smem:$0x3FB6];
	_ =	sdelay $0x3  }
0x33: {  	p0 =	seq.s32 s10, $0x1;
	s10 =	sld [smem:$0x3FB8];
	_ =	sdelay $0x3  }
0x34: {  	[smem:$0x3FB8] =	sst s10  }
0x35: {  	s10 =	sld [smem:$0x3FB7];
	_ =	sdelay $0x3  }
0x36: {  	p1 =	seq.s32 s10, $0x1;
	s10 =	sld [smem:$0x3FB8];
	_ =	sdelay $0x3  }
0x37: {  	[smem:$0x3FB8] =	sst s10  }
0x38: {  	s10 =	sld [smem:$0x3FB9]  }
0x39: {  	_ = 	snop;
	(pc) =	sbr.ind lr, $3  }
0x3a: {  	_ = 	snop  }
0x3b: {  	_ = 	snop  }
0x3c: {  	p2 =	seq.s32 s10, $0x1;
	s10 =	sld [smem:$0x3FB8]  }
0x3d: {  	_ =	shalt  }
0x3e: {  	_ =	shalt  }
0x3f: {  	_ =	shalt  }
0x40: {  	_ =	shalt  }
0x41: {  	_ =	shalt  }
0x42: {  	_ =	shalt  }
0x43: {  	_ =	shalt  }
0x44: {  	_ =	shalt  }
0x45: {  	_ =	shalt  }
0x46: {  	_ =	shalt  }
0x47: {  	_ =	shalt  }
0x48: {  	_ =	shalt  }
0x49: {  	_ =	shalt  }
0x4a: {  	_ =	shalt  }
0x4b: {  	_ =	shalt  }
0x4c: {  	_ =	shalt  }
0x4d: {  	_ =	shalt  }
0x4e: {  	_ =	shalt  }
0x4f: {  	_ =	shalt  }
0x50: {  	_ =	shalt  }
0x51: {  	_ =	shalt  }
0x52: {  	_ =	shalt  }
0x53: {  	_ =	shalt  }
0x54: {  	_ =	shalt  }
0x55: {  	_ =	shalt  }
0x56: {  	_ =	shalt  }
0x57: {  	_ =	shalt  }
0x58: {  	_ =	shalt  }
0x59: {  	_ =	shalt  }
0x5a: {  	_ =	shalt  }
0x5b: {  	_ =	shalt  }
0x5c: {  	_ =	shalt  }
0x5d: {  	_ =	shalt  }
0x5e: {  	_ =	shalt  }
0x5f: {  	_ =	shalt  }
0x60: {  	_ =	shalt  }
0x61: {  	_ =	shalt  }
0x62: {  	_ =	shalt  }
0x63: {  	_ =	shalt  }
0x64: {  	_ =	shalt  }
0x65: {  	_ =	shalt  }
0x66: {  	_ =	shalt  }
0x67: {  	_ =	shalt  }
0x68: {  	_ =	shalt  }
0x69: {  	_ =	shalt  }
0x6a: {  	_ =	shalt  }
0x6b: {  	_ =	shalt  }
0x6c: {  	_ =	shalt  }
0x6d: {  	_ =	shalt  }
0x6e: {  	_ =	shalt  }
0x6f: {  	_ =	shalt  }
0x70: {  	_ =	shalt  }
0x71: {  	_ =	shalt  }
0x72: {  	_ =	shalt  }
0x73: {  	_ =	shalt  }
0x74: {  	_ =	shalt  }
0x75: {  	_ =	shalt  }
0x76: {  	_ =	shalt  }
0x77: {  	_ =	shalt  }
0x78: {  	_ =	shalt  }
0x79: {  	_ =	shalt  }
0x7a: {  	_ =	shalt  }
0x7b: {  	_ =	shalt  }
0x7c: {  	_ =	shalt  }
0x7d: {  	_ =	shalt  }
0x7e: {  	_ =	shalt  }
0x7f: {  	_ =	shalt  }
0x80: {  	_ =	shalt  }
0x81: {  	_ =	shalt  }
0x82: {  	_ =	shalt  }
0x83: {  	_ =	shalt  }
0x84: {  	_ =	shalt  }
0x85: {  	_ =	shalt  }
0x86: {  	_ =	shalt  }
0x87: {  	_ =	shalt  }
.Lfunc_end0:
.L_simem_size_0:
called_computation_lowered:
.L_overlay_start_0:
0x88: {  	s2 =	sld [smem:$0x3FD9]  }
0x89: {  	s3 =	sld [smem:$0x3FFE];
	_ =	sdelay $0x1  }
0x8a: {  	s1 =	srdreg.scid  }
0x8b: {  	s0 =	sand.u32 $0x1, s1  }
0x8c: {  	s17 =	sshll.u32 s0, $0xA;
	s2 =	sadd.s32 s3, s2  }
0x8d: {  	s2 =	sadd.s32 s2, s17  }
0x8e: {  	[smem:$0x3FC4] =	sst s2  }
0x8f: {  	_ = 	snop  }
0x90: {  	s2 =	sld [smem:$0x3FD0];
	(tm) =	ssettm $0x1  }
0x91: {  	s18 =	sld [smem:$0x3FFB];
	_ =	sdelay $0x3  }
0x92: {  	_ =	strace s18  }
0x93: {  	s3 =	sld [smem:$0x3FFC];
	_ =	sdelay $0x3  }
0x94: {  	_ =	strace s3  }
0x95: {  	s3 =	sld [smem:$0x3FFD];
	_ =	sdelay $0x3  }
0x96: {  	_ =	strace s3  }
0x97: {  	_ =	strace $0x8FFFFFFF  }
0x98: {  	s19 =	sld [smem:$0x3FDB];
	_ =	sdelay $0x1  }
0x99: {  	s4 =	simm.s32 $_scs_section_size  }
0x9a: {  	s5 =	simm.s32 $_size__tile_overlayer_lowered;
	s6 =	simm.s32 $_tile_overlayer_lowered  }
0x9b: {  	s22 =	simm.s32 $0x1BFF;
	s21 =	sshll.u32 s6, $0x1;
	s3 =	sadd.s32 s4, s19  }
0x9c: {  	s7 =	simm.s32 $0x0;
	s20 =	sshll.u32 s5, $0x1;
	s5 =	sadd.s32 s21, s3  }
0x9d: {  	[timem:s7], [sflag:s22] =	dma.local [hbm:s5], s20  }
0x9e: {  	_ =	swait.ge [sflag:s22], s20  }
0x9f: {  	s4 =	ssub.s32 $0x0, s20;
	[sflag:s22] =	ssyncset.done $0x0  }
0xa0: {  	[sflag:s22] =	ssyncadd.s32 s4;
	_ =	sdelay $0x1  }
0xa1: {  	s23 =	simm.s32 $0x1B8B  }
0xa2: {  	_ =	swait.ge [sflag:s23], $0x1  }
0xa3: {  	[sflag:s23] =	ssyncset.done $0x0  }
0xa4: {  	s25 =	simm.s32 $0x1B8E;
	s24 =	sld [smem:$0x3FFE];
	[sflag:s23] =	ssyncadd.s32 $0xFFFFFFFF  }
0xa5: {  	s26 =	simm.s32 $execute0_lowered;
	[smem:$0x3FD2] =	sst s25  }
0xa6: {  	s5 =	sshll.u32 s26, $0x1;
	_ =	strace $0x80000046;
	[dreg:$0x1] =	wrdreg $0xFFFFFFFF  }
0xa7: {  	s28 =	simm.s32 $_size_execute0_lowered;
	s3 =	sadd.s32 s3, s5;
	[dreg:$0x0] =	wrdreg $0x0  }
0xa8: {  	s5 =	sshll.u32 s28, $0x1;
	[dreg:$0x2] =	wrdreg s3  }
0xa9: {  	[dreg:$0x3] =	wrdreg s5  }
0xaa: {  	[dreg:$0x4] =	wrdreg $0xC0  }
0xab: {  	_ =	task [dreg:s7], $0x5FFFF  }
0xac: {  	[dreg:$0x1] =	wrdreg $0xFFFFFFFF  }
0xad: {  	[dreg:$0x0] =	wrdreg $0x60  }
0xae: {  	[dreg:$0x2] =	wrdreg s24  }
0xaf: {  	[dreg:$0x3] =	wrdreg s2  }
0xb0: {  	[dreg:$0x4] =	wrdreg $0x90000  }
0xb1: {  	[dreg:$0x5] =	wrdreg $0x9  }
0xb2: {  	_ =	task.clear_ibuf [dreg:s7], $0x6FFFF;
	_ =	strace $0x90000046  }
0xb3: {  	s29 =	simm.s32 $0x9;
	_ =	strace $0x80000048  }
0xb4: {  	_ =	swait.ge [sflag:s29], $0x1  }
0xb5: {  	[sflag:s29] =	ssyncadd.s32 $0xFFFFFFFF  }
0xb6: {  	_ =	strace $0x90000048  }
0xb7: {  	_ =	sfence  }
0xb8: {  	s30 =	sld [smem:$0x0];
	_ =	sdelay $0x2  }
0xb9: {  	s31 =	sshll.u32 s1, $0xD;
	s1 =	sshrl.u32 s1, $0x2  }
0xba: {  	s3 =	sand.u32 $0x4000, s31;
	s1 =	sadd.s32 s1, s30  }
0xbb: {  	s0 =	sor.u32 s3, s0;
	s1 =	sshll.u32 s1, $0x11  }
0xbc: {  	s0 =	sor.u32 s1, s0  }
0xbd: {  	s0 =	sadd.s32 $0x8F2B, s0  }
0xbe: {  	[sflag:s0] =	ssyncadd.remote.s32 $0x1  }
0xbf: {  	_ =	sfence.sel $0xFFFF  }
0xc0: {  	[dreg:$0x0] =	wrdreg $0xFFFFFFFF;
	(pc) =	sbr.abs _section_cstart, $3  }
0xc1: {  	[dreg:$0x1] =	wrdreg $0xFFFFFFFF  }
0xc2: {  	_ =	task.clear_ibuf [dreg:s7], $0x2FFFF;
	_ =	strace $0x9FFFFFFF  }
0xc3: {  	(tm) =	ssettm $0x7FFFFFFF  }
tec
execute0_lowered:
.L_overlay_start_1:
0x0: {  	(tag) =	ssettag $0x1  }
0x1: {  	s5 =	rddreg [dreg:$0x0]  }
0x2: {  	s1 =	srdreg.scid;
	s9 =	rddreg [dreg:$0x1]  }
0x3: {  	s0 =	stileid.u32;
	s2 =	rddreg [dreg:$0x2]  }
0x4: {  	s3 =	simm.s32 $0x0;
	s19 =	simm.s32 $0x80;
	s20 =	simm.s32 $0x5000  }
0x5: {  	s21 =	simm.s32 $0x1;
	s24 =	simm.s32 $0x0;
	s6 =	smul.u32 $0x2800, s0  }
0x6: {  	s8 =	sand.u32 $0x1, s1;
	s1 =	rddreg [dreg:$0x3];
	s12 =	smul.u32 $0x50000, s0  }
0x7: {  	[smem:$0x7FF] =	sst s3;
	s28 =	smul.u32 $0x28000, s0;
	s31 =	sshll.u32 s0, $0x6  }
0x8: {  	p0 =	seq.s32 s0, $0xF;
	s4 =	smul.u32 $0x28000, s8;
	_ =	strace $0x80000047  }
0x9: {  	s10 =	ssub.s32 $0x2, s8;
	s29 =	sshll.u32 s8, $0xA;
	s30 =	sshll.u32 s8, $0x7  }
0xa: {  	s11 =	sshrl.u32 s10, $0x1;
	s26 =	sshrl.u32 s12, $0x2;
	s12 =	simm.s32 $0x2800  }
0xb: {  	s4 =	sadd.s32 s6, s4;
	s6 =	sshrl.u32 s6, $0x3;
	s10 =	ssub.s32 s10, s11  }
0xc: {  	s23 =	sadd.s32 s26, s2;
	s11 =	sor.u32 s29, s28;
	s7 =	sshrl.u32 s4, $0x3  }
0xd: {  	s4 =	sadd.s32 $0xF400, s5;
	s13 =	sadd.s32 s6, s5;
	s15 =	sadd.s32 $0x4000, s23  }
0xe: {  	s16 =	sadd.s32 $0x8000, s23;
	s17 =	sadd.s32 $0xC000, s23;
	s11 =	sshrl.u32 s11, $0x3  }
0xf: {  	s18 =	sadd.s32 $0x10000, s23;
	s10 =	smax.u32 s10, $0x1;
	s14 =	sshrl.u32 s23, $0x3  }
0x10: {  	s22 =	sshrl.u32 @p0 s23, $0x3;
	s23 =	sshrl.u32 @!p0 s23, $0x3;
	s7 =	sadd.s32 s7, s5  }
0x11: {  	s5 =	sadd.s32 $0x5D600, s5;
	s8 =	sadd.s32 s9, s11;
	s9 =	sadd.s32 s30, s9  }
0x12: {  	s11 =	simm.s32 $0x2;
	s15 =	sshrl.u32 s15, $0x3;
	s16 =	sshrl.u32 s16, $0x3  }
0x13: {  	s17 =	sshrl.u32 s17, $0x3;
	s18 =	sshrl.u32 s18, $0x3;
	s6 =	sadd.s32 $0x5400, s7  }
0x14: {  	s7 =	sadd.s32 $0x400, s13;
	s9 =	sadd.s32 $0x4B000, s9;
	s13 =	sor.u32 $0x1C02, s31  }
.LBB2_1:
0x15: {  	[tilespmem:s3], [sflag:$0x2] =	stream.linear.gather [hbm4b:s6+s3], $0x2780, $0x38;
	[tilespmem:$0x1D000] =	vst v63  }
0x16: {  	_ =	swait.ge [sflag:s11], $0x2780  }
0x17: {  	[sflag:s11] =	ssyncset.done $0x0  }
0x18: {  	[sflag:s11] =	ssyncadd.s32 $0xFFFFD880  }
0x19: {  	[tilespmem:s12], [sflag:$0x2] =	stream.linear.gather [hbm4b:s7+s3], $0x2780, $0x38;
	[tilespmem:$0x1D000] =	vst v63  }
0x1a: {  	_ =	swait.ge [sflag:s11], $0x2780  }
0x1b: {  	[sflag:s11] =	ssyncset.done $0x0  }
0x1c: {  	[sflag:s11] =	ssyncadd.s32 $0xFFFFD880  }
0x1d: {  	[spmem:s14], [sflag:s13] =	dma.local [hbm:s5], $0x800  }
0x1e: {  	_ =	swait.ge [sflag:s11], $0x800  }
0x1f: {  	[sflag:s11] =	ssyncset.done $0x0  }
0x20: {  	[sflag:s11] =	ssyncadd.s32 $0xFFFFF800  }
0x21: {  	[spmem:s15], [sflag:s13] =	dma.local [hbm:s5], $0x800  }
0x22: {  	_ =	swait.ge [sflag:s11], $0x800  }
0x23: {  	[sflag:s11] =	ssyncset.done $0x0  }
0x24: {  	[sflag:s11] =	ssyncadd.s32 $0xFFFFF800  }
0x25: {  	[spmem:s16], [sflag:s13] =	dma.local [hbm:s5], $0x800  }
0x26: {  	_ =	swait.ge [sflag:s11], $0x800  }
0x27: {  	[sflag:s11] =	ssyncset.done $0x0  }
0x28: {  	[sflag:s11] =	ssyncadd.s32 $0xFFFFF800  }
0x29: {  	[spmem:s17], [sflag:s13] =	dma.local [hbm:s5], $0x800  }
0x2a: {  	_ =	swait.ge [sflag:s11], $0x800  }
0x2b: {  	[sflag:s11] =	ssyncset.done $0x0  }
0x2c: {  	[sflag:s11] =	ssyncadd.s32 $0xFFFFF800  }
0x2d: {  	[spmem:s18], [sflag:s13] =	dma.local [hbm:s5], $0x800  }
0x2e: {  	_ =	swait.ge [sflag:s11], $0x800  }
0x2f: {  	[sflag:s11] =	ssyncset.done $0x0  }
0x30: {  	[sflag:s11] =	ssyncadd.s32 $0xFFFFF800  }
0x31: {  	s25 =	simm.s32 $0x0;
	[bflag:$0x0] =	sbarrier.arrive $0xFFFF  }
0x32: {  	[tilespmem:s20], [sflag:$0x1] =	stream.indirect.gather [hbm4b:s4+s19], $0x80, s25, s19, $0xb8;
	[tilespmem:$0x1D000] =	vst v63  }
0x33: {  	_ =	swait.ge [sflag:s21], $0x4000  }
0x34: {  	[sflag:s21] =	ssyncset.done $0x0  }
0x35: {  	s31 =	simm.s32 $0x2800;
	[sflag:s21] =	ssyncadd.s32 $0xFFFFC000  }
0x36: {  	[spmem:s2] =	stream.indirect.scatter.add.f32 [tilespmem:s20], [sflag:$0x2], $0x80, s31, s19, $0xb8;
	[tilespmem:$0x1D000] =	vst v63  }
0x37: {  	_ =	swait.ge [sflag:s11], $0x4000  }
0x38: {  	s26 =	simm.s32 $0x400;
	s25 =	simm.s32 $0x200;
	[sflag:s11] =	ssyncset.done $0x0  }
.LBB2_2:
0x39: {  	s28 =	sshra.s32 s25, $0x2  }
0x3a: {  	[sflag:s11] =	ssyncadd.s32 $0xFFFFC000;
	s25 =	smov.u32 s26;
	s29 =	sadd.s32 $0x200, s26  }
0x3b: {  	[tilespmem:s20], [sflag:$0x1] =	stream.indirect.gather [hbm4b:s4+s19], $0x80, s28, s19, $0xb8;
	[tilespmem:$0x1D000] =	vst v63  }
0x3c: {  	p1 =	sne.s32 s26, $0x9C00;
	_ =	swait.ge [sflag:s21], $0x4000  }
.Ltmp0:
0x3d: {  	[sflag:s21] =	ssyncset.done $0x0;
	(pc) =	sbr.rel @p1 .LBB2_2-.Ltmp0, $4  }
0x3e: {  	s26 =	sadd.s32 $0x2800, s28;
	[sflag:s21] =	ssyncadd.s32 $0xFFFFC000  }
0x3f: {  	[spmem:s2] =	stream.indirect.scatter.add.f32 [tilespmem:s20], [sflag:$0x2], $0x80, s26, s19, $0xb8;
	[tilespmem:$0x1D000] =	vst v63  }
0x40: {  	_ =	swait.ge [sflag:s11], $0x4000  }
0x41: {  	s26 =	smov.u32 s29;
	[sflag:s11] =	ssyncset.done $0x0  }
0x42: {  	s25 =	sshra.s32 s25, $0x2;
	[sflag:s11] =	ssyncadd.s32 $0xFFFFC000  }
0x43: {  	[tilespmem:s20], [sflag:$0x1] =	stream.indirect.gather [hbm4b:s4+s19], $0x80, s25, s19, $0xb8;
	[tilespmem:$0x1D000] =	vst v63  }
0x44: {  	_ =	swait.ge [sflag:s21], $0x4000  }
0x45: {  	[sflag:s21] =	ssyncset.done $0x0  }
0x46: {  	s25 =	sadd.s32 $0x2800, s25;
	[sflag:s21] =	ssyncadd.s32 $0xFFFFC000  }
0x47: {  	[spmem:s2] =	stream.indirect.scatter.add.f32 [tilespmem:s20], [sflag:$0x2], $0x80, s25, s19, $0xb8;
	[tilespmem:$0x1D000] =	vst v63  }
0x48: {  	_ =	swait.ge [sflag:s11], $0x4000  }
0x49: {  	[sflag:s11] =	ssyncset.done $0x0  }
0x4a: {  	s26 =	simm.s32 @p0 $0x100;
	[sflag:s11] =	ssyncadd.s32 $0xFFFFC000  }
0x4b: {  	s28 =	simm.s32 @p0 $0x80;
	s25 =	simm.s32 @p0 $0x8;
	[bflag:$0x0] =	sbarrier.arrive $0xFFFF  }
0x4c: {  	[hbm:s9@s26], [sflag:s13] =	dma.strided @p0 [spmem:s22@s28], $0x1900, s25, $0x10   }
0x4d: {  	s25 =	simm.s32 @p0 $0x2  }
0x4e: {  	s24 =	sadd.s32 $0x1, s24;
	_ =	swait.ge @p0 [sflag:s25], $0x1900  }
0x4f: {  	p1 =	sne.s32 s24, s10;
	s26 =	simm.s32 @!p0 $0x100;
	[sflag:s25] =	ssyncset.done @p0 $0x0  }
0x50: {  	s28 =	simm.s32 @!p0 $0x80;
	[sflag:s25] =	ssyncadd.s32 @p0 $0xFFFFE700;
	s25 =	simm.s32 @!p0 $0x8  }
0x51: {  	[hbm:s8@s26], [sflag:s13] =	dma.strided @!p0 [spmem:s23@s28], $0x2800, s25, $0x10   }
.Ltmp1:
0x52: {  	_ = 	snop;
	(pc) =	sbr.rel @p1 .LBB2_1-.Ltmp1, $4  }
0x53: {  	s25 =	simm.s32 @!p0 $0x2  }
0x54: {  	_ =	swait.ge @!p0 [sflag:s25], $0x2800  }
0x55: {  	[sflag:s25] =	ssyncset.done @!p0 $0x0  }
0x56: {  	[sflag:s25] =	ssyncadd.s32 @!p0 $0xFFFFD800  }
0x57: {  	_ =	sfence.sel $0x180000  }
0x58: {  	[bflag:$0x0] =	sbarrier.arrive $0xFFFF  }
0x59: {  	p0 =	sne.s32 s0, $0x0;
	_ =	strace $0x90000047  }
0x5a: {  	s0 =	sadd.s32 @!p0 $0x100000, s1;
	[bflag:$0x2] =	sbarrier.arrive $0xFFFF  }
0x5b: {  	[sflag:s0] =	ssyncadd.tile.s32 @!p0 $0x1;
	_ =	shalt  }
.Lfunc_end2:
_tile_overlayer_lowered:
.L_overlay_start_2:
0x5c: {  	(tag) =	ssettag $0x2  }
0x5d: {  	s0 =	rddreg [dreg:$0x0];
	s2 =	stileid.u32  }
0x5e: {  	s1 =	rddreg [dreg:$0x1];
	p0 =	sne.s32 s2, $0x0  }
0x5f: {  	s3 =	rddreg [dreg:$0x2];
	[bflag:$0x3] =	sbarrier.arrive $0xFFFF;
	s2 =	simm.s32 @!p0 $0x1C02  }
0x60: {  	[timem:s3], [sflag:s2] =	dma.local @!p0 [hbm:s0], s1  }
0x61: {  	s0 =	simm.s32 @!p0 $0x2  }
0x62: {  	_ =	swait.ge @!p0 [sflag:s0], s1  }
0x63: {  	s1 =	ssub.s32 @!p0 $0x0, s1;
	[sflag:s0] =	ssyncset.done @!p0 $0x0  }
0x64: {  	[sflag:s0] =	ssyncadd.s32 @!p0 s1  }
0x65: {  	[bflag:$0x3] =	sbarrier.arrive $0xFFFF  }
0x66: {  	_ =	shalt  }

</sc_bundles>
